<compile_context>
chip_gen: v7x
topology: tpu7x:2x2x1
jax: 0.10.2.dev20260603
libtpu: 0.0.44.dev20260713+nightly
codegen_flags: <defaults>
</compile_context>

<pallas_src>
import functools

import jax
import jax.numpy as jnp
from jax import lax
from jax.experimental import pallas as pl
from jax.experimental.pallas import tpu as pltpu
from jax.experimental.pallas import tpu_sc as plsc

_N, _E, _D, _H, _C, _G = 10000, 320000, 128, 256, 10, 64
_NCORE, _NSUB = 2, 16
_NW = _NCORE * _NSUB
_K = 64
_CHUNKS = 160
_EPW = _K * _CHUNKS
_EPAD = _NW * _EPW
_NR = 10112
_RPT = _NR // _NSUB
_OPT = _N // _NSUB
_DW = 16

_PREC = jax.lax.Precision.HIGHEST


def _encode(x, w):
    def body(x_ref, w_ref, h_ref):
        h_ref[:] = jax.lax.dot_general(
            x_ref[:], w_ref[:], (((1,), (0,)), ((), ())),
            preferred_element_type=jnp.float32, precision=_PREC)

    return pl.pallas_call(
        body,
        out_shape=jax.ShapeDtypeStruct((_N, _D), jnp.float32),
    )(x, w)


def _sc_agg(h, srcr, dstr, z128):
    mesh = plsc.VectorSubcoreMesh(core_axis_name="c", subcore_axis_name="s")

    @functools.partial(
        pl.kernel,
        out_type=jax.ShapeDtypeStruct((_NCORE, _NR, _D), jnp.float32),
        mesh=mesh,
        scratch_types=[
            pltpu.VMEM((_EPW,), jnp.int32),
            pltpu.VMEM((_EPW,), jnp.int32),
            pltpu.VMEM((_K, _D), jnp.float32),
            pltpu.VMEM((_K, _D), jnp.float32),
            pltpu.SemaphoreType.DMA,
            pltpu.SemaphoreType.DMA,
            pltpu.VMEM_SHARED((_NR, _D), jnp.float32),
        ],
    )
    def k(h_hbm, src_hbm, dst_hbm, z128_hbm,
          agg_out, sbuf, dbuf, gbuf0, gbuf1, sem0, sem1, agg_sh):
        cid = lax.axis_index("c")
        sid = lax.axis_index("s")
        wid = cid * _NSUB + sid

        pltpu.sync_copy(z128_hbm, agg_sh.at[pl.ds(sid * _RPT, _RPT)])
        pltpu.sync_copy(src_hbm.at[wid], sbuf)
        pltpu.sync_copy(dst_hbm.at[wid], dbuf)
        plsc.subcore_barrier()

        pltpu.async_copy(h_hbm.at[sbuf.at[pl.ds(0, _K)]], gbuf0, sem0)

        def step(t, carry):
            o0 = 2 * t * _K
            o1 = o0 + _K
            pltpu.async_copy(h_hbm.at[sbuf.at[pl.ds(o1, _K)]], gbuf1, sem1)
            pltpu.make_async_copy(
                h_hbm.at[sbuf.at[pl.ds(o0, _K)]], gbuf0, sem0).wait()
            pltpu.sync_copy(gbuf0, agg_sh.at[dbuf.at[pl.ds(o0, _K)]],
                            add=True)

            @pl.when(t != _CHUNKS // 2 - 1)
            def _():
                pltpu.async_copy(
                    h_hbm.at[sbuf.at[pl.ds(o1 + _K, _K)]], gbuf0, sem0)

            pltpu.make_async_copy(
                h_hbm.at[sbuf.at[pl.ds(o1, _K)]], gbuf1, sem1).wait()
            pltpu.sync_copy(gbuf1, agg_sh.at[dbuf.at[pl.ds(o1, _K)]],
                            add=True)
            return carry

        lax.fori_loop(0, _CHUNKS // 2, step, 0)
        plsc.subcore_barrier()

        pltpu.sync_copy(agg_sh.at[pl.ds(sid * _RPT, _RPT)],
                        agg_out.at[cid, pl.ds(sid * _RPT, _RPT)])

    return k(h, srcr, dstr, z128)


_M = 2048
_DCH = 160


def _deg_tc(d2):
    def body(d_ref, out_ref):
        isub = jax.lax.broadcasted_iota(jnp.int32, (_D, 1), 0)

        def outer(b, acc):
            blk = d_ref[pl.ds(b * 8, 8), :]
            for s in range(8):
                row = blk[s:s + 1, :]
                ohq = ((row >> 7) == isub).astype(jnp.float32)
                ohr = ((row & 127) == isub).astype(jnp.float32)
                acc = acc + jax.lax.dot_general(
                    ohq, ohr, (((1,), (1,)), ((), ())),
                    preferred_element_type=jnp.float32, precision=_PREC)
            return acc

        out_ref[:] = lax.fori_loop(
            0, _DCH // 8, outer, jnp.zeros((_D, _D), jnp.float32))

    return pl.pallas_call(
        body,
        out_shape=jax.ShapeDtypeStruct((_D, _D), jnp.float32),
    )(d2)


def _head(p0, p1, dd, batch2, be, w1, b1r, w2, b2r):
    def body(p0_ref, p1_ref, dd_ref, bt_ref, be_ref,
             w1_ref, b1_ref, w2_ref, b2_ref, out_ref):
        deg = jnp.maximum(dd_ref[:], 1.0)
        z = jnp.maximum((p0_ref[:] + p1_ref[:]) / deg + be_ref[:], 0.0)
        gids = jax.lax.broadcasted_iota(jnp.int32, (1, _G), 1)
        m = (bt_ref[:] == gids).astype(jnp.float32)
        sums = jax.lax.dot_general(
            m, z, (((0,), (0,)), ((), ())),
            preferred_element_type=jnp.float32, precision=_PREC)
        ones_col = jnp.ones((_N, 1), jnp.float32)
        cnt = jax.lax.dot_general(
            m, ones_col, (((0,), (0,)), ((), ())),
            preferred_element_type=jnp.float32, precision=_PREC)
        pooled = sums / jnp.maximum(cnt, 1.0)
        hid = jnp.maximum(
            jax.lax.dot_general(pooled, w1_ref[:], (((1,), (0,)), ((), ())),
                                preferred_element_type=jnp.float32,
                                precision=_PREC) + b1_ref[:], 0.0)
        out_ref[:] = jax.lax.dot_general(
            hid, w2_ref[:], (((1,), (0,)), ((), ())),
            preferred_element_type=jnp.float32, precision=_PREC) + b2_ref[:]

    return pl.pallas_call(
        body,
        out_shape=jax.ShapeDtypeStruct((_G, _C), jnp.float32),
    )(p0, p1, dd, batch2, be, w1, b1r, w2, b2r)


def kernel(x, edge_index, batch, W_enc, b_enc, W1, b1, W2, b2):
    h = _encode(x, W_enc)

    pad = _EPAD - _E
    srcp = jnp.concatenate(
        [edge_index[0], jnp.zeros((pad,), jnp.int32)]).reshape(_NW, _EPW)
    dstp = jnp.concatenate(
        [edge_index[1], jnp.full((pad,), _N, jnp.int32)]).reshape(_NW, _EPW)
    z128 = jnp.zeros((_RPT, _D), jnp.float32)

    aggp = _sc_agg(h, srcp, dstp, z128)

    deg_grid = _deg_tc(dstp.reshape(_DCH, _M))
    deg = deg_grid.reshape(_D * _D, 1)[:_N]

    return _head(aggp[0, :_N], aggp[1, :_N], deg,
                 batch.reshape(_N, 1), b_enc.reshape(1, _D),
                 W1, b1.reshape(1, _H), W2, b2.reshape(1, _C))

# --- scband reference (transcript-rebuilt; emitter-appended) ---
"""Pipeline reference for scband-graph-merfishwith-mlp-31542239822521 (READ-ONLY COPY).

The authoritative reference and input builder live on the scoring server;
editing this copy changes nothing except your own understanding.
"""

import jax, jax.numpy as jnp
import numpy as np

N = 10000
E = 320000
D = 128
H = 256
C = 10
G = 64


def setup_inputs(seed: int = 0) -> dict:
    key = jax.random.key(seed)
    ks = jax.random.split(key, 9)
    x = jax.random.normal(ks[0], (N, D), dtype=jnp.float32)
    edge_index = jax.random.randint(ks[1], (2, E), 0, N, dtype=jnp.int32)
    batch = jnp.sort(jax.random.randint(ks[2], (N,), 0, G, dtype=jnp.int32))
    W_enc = jax.random.normal(ks[3], (D, D), dtype=jnp.float32) * (1.0 / np.sqrt(D))
    b_enc = jnp.zeros((D,), dtype=jnp.float32)
    W1 = jax.random.normal(ks[4], (D, H), dtype=jnp.float32) * (1.0 / np.sqrt(D))
    b1 = jnp.zeros((H,), dtype=jnp.float32)
    W2 = jax.random.normal(ks[5], (H, C), dtype=jnp.float32) * (1.0 / np.sqrt(H))
    b2 = jnp.zeros((C,), dtype=jnp.float32)
    return {"x": x, "edge_index": edge_index, "batch": batch,
            "W_enc": W_enc, "b_enc": b_enc, "W1": W1, "b1": b1, "W2": W2, "b2": b2}


def reference(x, edge_index, batch, W_enc, b_enc, W1, b1, W2, b2):
    # pretrained_model(data) -> z (simplified GCN-style encoder with mean aggregation)
    h = x @ W_enc
    src = edge_index[0]
    dst = edge_index[1]
    msg = jnp.take(h, src, axis=0)                       # gather
    agg = jax.ops.segment_sum(msg, dst, num_segments=N)  # scatter-add
    deg = jax.ops.segment_sum(jnp.ones((E,), dtype=h.dtype), dst, num_segments=N)
    z = jax.nn.relu(agg / jnp.clip(deg, 1.0)[:, None] + b_enc)
    # global_mean_pool(z, data.batch)
    sums = jax.ops.segment_sum(z, batch, num_segments=G)
    cnt = jax.ops.segment_sum(jnp.ones((N,), dtype=z.dtype), batch, num_segments=G)
    pooled = sums / jnp.clip(cnt, 1.0)[:, None]
    # mlp_head(pooled_z)
    hid = jax.nn.relu(pooled @ W1 + b1)
    out = hid @ W2 + b2
    return out

if __name__ == "__main__":
    import jax
    _d = setup_inputs()
    print(jax.jit(kernel)(*tuple(_d.values())))

</pallas_src>

<mosaic_0001>
#map = affine_map<(d0, d1) -> (0, 0)>
#map1 = affine_map<(d0, d1) -> (0, 0, 0)>
module attributes {stable_mosaic.version = 14 : i64} {
  func.func @k(%arg0: i32, %arg1: i32, %arg2: memref<10000x128xf32, #tpu.memory_space<hbm>>, %arg3: memref<32x10240xi32, #tpu.memory_space<hbm>>, %arg4: memref<32x10240xi32, #tpu.memory_space<hbm>>, %arg5: memref<632x128xf32, #tpu.memory_space<hbm>>, %arg6: memref<2x10112x128xf32, #tpu.memory_space<hbm>>, %arg7: memref<10240xi32, #tpu.memory_space<vmem>>, %arg8: memref<10240xi32, #tpu.memory_space<vmem>>, %arg9: memref<64x128xf32, #tpu.memory_space<vmem>>, %arg10: memref<64x128xf32, #tpu.memory_space<vmem>>, %arg11: memref<!tpu.dma_semaphore, #tpu.memory_space<semaphore_mem>>, %arg12: memref<!tpu.dma_semaphore, #tpu.memory_space<semaphore_mem>>, %arg13: memref<10112x128xf32, #tpu.memory_space<vmem_shared>>) attributes {dimension_semantics = [#tpu.dimension_semantics<core_parallel>, #tpu.dimension_semantics<subcore_parallel>], iteration_bounds = array<i64: 2, 16>, scalar_prefetch = 0 : i64, scratch_operands = 7 : i64, tpu.core_type = #tpu.core_type<sc_vector_subcore>, window_params = [{transform_indices = #map}, {transform_indices = #map}, {transform_indices = #map}, {transform_indices = #map}, {transform_indices = #map1}]} {
    %mul3A = arith.constant 16 : i32
    %mul3A_0 = arith.muli %arg0, %mul3A : i32
    %add3A = arith.addi %mul3A_0, %arg1 : i32
    %mul3A_1 = arith.constant 632 : i32
    %mul3A_2 = arith.muli %arg1, %mul3A_1 : i32
    "tpu.region"() ({
      %run_scoped3A = tpu.sem_alloc : memref<!tpu.dma_semaphore, #tpu.memory_space<semaphore_mem>>
      %dma_start3A_17 = arith.constant 0 : i32
      %dma_start3A_18 = tpu.memref_slice %arg13[%mul3A_2, %dma_start3A_17] : memref<10112x128xf32, #tpu.memory_space<vmem_shared>> -> memref<632x128xf32, #tpu.memory_space<vmem_shared>>
      tpu.enqueue_dma source(%arg5 : memref<632x128xf32, #tpu.memory_space<hbm>>) target(%dma_start3A_18 : memref<632x128xf32, #tpu.memory_space<vmem_shared>>) target_semaphore(%run_scoped3A : memref<!tpu.dma_semaphore, #tpu.memory_space<semaphore_mem>>)
      %dma_wait3A = arith.constant 0 : i32
      %dma_wait3A_19 = tpu.memref_slice %arg13[%mul3A_2, %dma_wait3A] : memref<10112x128xf32, #tpu.memory_space<vmem_shared>> -> memref<632x128xf32, #tpu.memory_space<vmem_shared>>
      tpu.wait_dma2 semaphore(%run_scoped3A : memref<!tpu.dma_semaphore, #tpu.memory_space<semaphore_mem>>) src(%arg5 : memref<632x128xf32, #tpu.memory_space<hbm>>) dst(%dma_wait3A_19 : memref<632x128xf32, #tpu.memory_space<vmem_shared>>)
      tpu.yield
    }) : () -> ()
    "tpu.region"() ({
      %run_scoped3A = tpu.sem_alloc : memref<!tpu.dma_semaphore, #tpu.memory_space<semaphore_mem>>
      %dma_start3A_17 = arith.constant 0 : i32
      %dma_start3A_18 = tpu.memref_slice %arg3[%add3A, %dma_start3A_17] : memref<32x10240xi32, #tpu.memory_space<hbm>> -> memref<1x10240xi32, #tpu.memory_space<hbm>>
      %dma_start3A_19 = tpu.memref_squeeze %dma_start3A_18 : memref<1x10240xi32, #tpu.memory_space<hbm>> -> memref<10240xi32, #tpu.memory_space<hbm>>
      %dma_start3A_20 = arith.constant 0 : i32
      %dma_start3A_21 = tpu.memref_slice %arg3[%add3A, %dma_start3A_20] : memref<32x10240xi32, #tpu.memory_space<hbm>> -> memref<1x10240xi32, #tpu.memory_space<hbm>>
      %dma_start3A_22 = tpu.memref_squeeze %dma_start3A_21 : memref<1x10240xi32, #tpu.memory_space<hbm>> -> memref<10240xi32, #tpu.memory_space<hbm>>
      tpu.enqueue_dma source(%dma_start3A_22 : memref<10240xi32, #tpu.memory_space<hbm>>) target(%arg7 : memref<10240xi32, #tpu.memory_space<vmem>>) target_semaphore(%run_scoped3A : memref<!tpu.dma_semaphore, #tpu.memory_space<semaphore_mem>>)
      %dma_wait3A = arith.constant 0 : i32
      %dma_wait3A_23 = tpu.memref_slice %arg3[%add3A, %dma_wait3A] : memref<32x10240xi32, #tpu.memory_space<hbm>> -> memref<1x10240xi32, #tpu.memory_space<hbm>>
      %dma_wait3A_24 = tpu.memref_squeeze %dma_wait3A_23 : memref<1x10240xi32, #tpu.memory_space<hbm>> -> memref<10240xi32, #tpu.memory_space<hbm>>
      %dma_wait3A_25 = arith.constant 0 : i32
      %dma_wait3A_26 = tpu.memref_slice %arg3[%add3A, %dma_wait3A_25] : memref<32x10240xi32, #tpu.memory_space<hbm>> -> memref<1x10240xi32, #tpu.memory_space<hbm>>
      %dma_wait3A_27 = tpu.memref_squeeze %dma_wait3A_26 : memref<1x10240xi32, #tpu.memory_space<hbm>> -> memref<10240xi32, #tpu.memory_space<hbm>>
      tpu.wait_dma2 semaphore(%run_scoped3A : memref<!tpu.dma_semaphore, #tpu.memory_space<semaphore_mem>>) src(%dma_wait3A_27 : memref<10240xi32, #tpu.memory_space<hbm>>) dst(%arg7 : memref<10240xi32, #tpu.memory_space<vmem>>)
      tpu.yield
    }) : () -> ()
    "tpu.region"() ({
      %run_scoped3A = tpu.sem_alloc : memref<!tpu.dma_semaphore, #tpu.memory_space<semaphore_mem>>
      %dma_start3A_17 = arith.constant 0 : i32
      %dma_start3A_18 = tpu.memref_slice %arg4[%add3A, %dma_start3A_17] : memref<32x10240xi32, #tpu.memory_space<hbm>> -> memref<1x10240xi32, #tpu.memory_space<hbm>>
      %dma_start3A_19 = tpu.memref_squeeze %dma_start3A_18 : memref<1x10240xi32, #tpu.memory_space<hbm>> -> memref<10240xi32, #tpu.memory_space<hbm>>
      %dma_start3A_20 = arith.constant 0 : i32
      %dma_start3A_21 = tpu.memref_slice %arg4[%add3A, %dma_start3A_20] : memref<32x10240xi32, #tpu.memory_space<hbm>> -> memref<1x10240xi32, #tpu.memory_space<hbm>>
      %dma_start3A_22 = tpu.memref_squeeze %dma_start3A_21 : memref<1x10240xi32, #tpu.memory_space<hbm>> -> memref<10240xi32, #tpu.memory_space<hbm>>
      tpu.enqueue_dma source(%dma_start3A_22 : memref<10240xi32, #tpu.memory_space<hbm>>) target(%arg8 : memref<10240xi32, #tpu.memory_space<vmem>>) target_semaphore(%run_scoped3A : memref<!tpu.dma_semaphore, #tpu.memory_space<semaphore_mem>>)
      %dma_wait3A = arith.constant 0 : i32
      %dma_wait3A_23 = tpu.memref_slice %arg4[%add3A, %dma_wait3A] : memref<32x10240xi32, #tpu.memory_space<hbm>> -> memref<1x10240xi32, #tpu.memory_space<hbm>>
      %dma_wait3A_24 = tpu.memref_squeeze %dma_wait3A_23 : memref<1x10240xi32, #tpu.memory_space<hbm>> -> memref<10240xi32, #tpu.memory_space<hbm>>
      %dma_wait3A_25 = arith.constant 0 : i32
      %dma_wait3A_26 = tpu.memref_slice %arg4[%add3A, %dma_wait3A_25] : memref<32x10240xi32, #tpu.memory_space<hbm>> -> memref<1x10240xi32, #tpu.memory_space<hbm>>
      %dma_wait3A_27 = tpu.memref_squeeze %dma_wait3A_26 : memref<1x10240xi32, #tpu.memory_space<hbm>> -> memref<10240xi32, #tpu.memory_space<hbm>>
      tpu.wait_dma2 semaphore(%run_scoped3A : memref<!tpu.dma_semaphore, #tpu.memory_space<semaphore_mem>>) src(%dma_wait3A_27 : memref<10240xi32, #tpu.memory_space<hbm>>) dst(%arg8 : memref<10240xi32, #tpu.memory_space<vmem>>)
      tpu.yield
    }) : () -> ()
    %barrier3A = arith.constant 0 : index
    tpu.barrier barrier_id(%barrier3A)
    %dma_start3A = arith.constant 0 : i32
    %dma_start3A_3 = tpu.memref_slice %arg7[%dma_start3A] : memref<10240xi32, #tpu.memory_space<vmem>> -> memref<64xi32, #tpu.memory_space<vmem>>
    %dma_start3A_4 = arith.constant 0 : i32
    %dma_start3A_5 = arith.constant 0 : i32
    %dma_start3A_6 = tpu.memref_slice %arg2[%dma_start3A_4, %dma_start3A_5] : memref<10000x128xf32, #tpu.memory_space<hbm>> -> memref<10000x128xf32, #tpu.memory_space<hbm>>
    tpu.enqueue_indirect_dma source(%dma_start3A_6 : memref<10000x128xf32, #tpu.memory_space<hbm>>) target(%arg9 : memref<64x128xf32, #tpu.memory_space<vmem>>) offsets(%dma_start3A_3 : memref<64xi32, #tpu.memory_space<vmem>>) semaphore(%arg11 : memref<!tpu.dma_semaphore, #tpu.memory_space<semaphore_mem>>)
    %scan3A = arith.constant 0 : i32
    %scan3A_7 = arith.constant 0 : i32
    %scan3A_8 = arith.constant 80 : i32
    %scan3A_9 = arith.addi %scan3A_7, %scan3A_8 : i32
    %scan3A_10 = arith.constant 1 : i32
    scf.for %scan3A_17 = %scan3A_7 to %scan3A_9 step %scan3A_10  : i32 {
      %mul3A_18 = arith.constant 2 : i32
      %mul3A_19 = arith.muli %mul3A_18, %scan3A_17 : i32
      %mul3A_20 = arith.constant 64 : i32
      %mul3A_21 = arith.muli %mul3A_19, %mul3A_20 : i32
      %add3A_22 = arith.constant 64 : i32
      %add3A_23 = arith.addi %mul3A_21, %add3A_22 : i32
      %dma_start3A_24 = tpu.memref_slice %arg7[%add3A_23] : memref<10240xi32, #tpu.memory_space<vmem>> -> memref<64xi32, #tpu.memory_space<vmem>>
      %dma_start3A_25 = arith.constant 0 : i32
      %dma_start3A_26 = arith.constant 0 : i32
      %dma_start3A_27 = tpu.memref_slice %arg2[%dma_start3A_25, %dma_start3A_26] : memref<10000x128xf32, #tpu.memory_space<hbm>> -> memref<10000x128xf32, #tpu.memory_space<hbm>>
      tpu.enqueue_indirect_dma source(%dma_start3A_27 : memref<10000x128xf32, #tpu.memory_space<hbm>>) target(%arg10 : memref<64x128xf32, #tpu.memory_space<vmem>>) offsets(%dma_start3A_24 : memref<64xi32, #tpu.memory_space<vmem>>) semaphore(%arg12 : memref<!tpu.dma_semaphore, #tpu.memory_space<semaphore_mem>>)
      %dma_wait3A = tpu.memref_slice %arg7[%mul3A_21] : memref<10240xi32, #tpu.memory_space<vmem>> -> memref<64xi32, #tpu.memory_space<vmem>>
      %dma_wait3A_28 = arith.constant 0 : i32
      %dma_wait3A_29 = arith.constant 0 : i32
      %dma_wait3A_30 = tpu.memref_slice %arg2[%dma_wait3A_28, %dma_wait3A_29] : memref<10000x128xf32, #tpu.memory_space<hbm>> -> memref<10000x128xf32, #tpu.memory_space<hbm>>
      tpu.wait_indirect_dma semaphore(%arg11 : memref<!tpu.dma_semaphore, #tpu.memory_space<semaphore_mem>>) src(%dma_wait3A_30 : memref<10000x128xf32, #tpu.memory_space<hbm>>) dst(%arg9 : memref<64x128xf32, #tpu.memory_space<vmem>>)
      "tpu.region"() ({
        %run_scoped3A = tpu.sem_alloc : memref<!tpu.dma_semaphore, #tpu.memory_space<semaphore_mem>>
        %dma_start3A_37 = tpu.memref_slice %arg8[%mul3A_21] : memref<10240xi32, #tpu.memory_space<vmem>> -> memref<64xi32, #tpu.memory_space<vmem>>
        %dma_start3A_38 = arith.constant 0 : i32
        %dma_start3A_39 = arith.constant 0 : i32
        %dma_start3A_40 = tpu.memref_slice %arg13[%dma_start3A_38, %dma_start3A_39] : memref<10112x128xf32, #tpu.memory_space<vmem_shared>> -> memref<10112x128xf32, #tpu.memory_space<vmem_shared>>
        tpu.enqueue_indirect_dma source(%arg9 : memref<64x128xf32, #tpu.memory_space<vmem>>) target(%dma_start3A_40 : memref<10112x128xf32, #tpu.memory_space<vmem_shared>>) offsets(%dma_start3A_37 : memref<64xi32, #tpu.memory_space<vmem>>) semaphore(%run_scoped3A : memref<!tpu.dma_semaphore, #tpu.memory_space<semaphore_mem>>) {add = true}
        %dma_wait3A_41 = tpu.memref_slice %arg8[%mul3A_21] : memref<10240xi32, #tpu.memory_space<vmem>> -> memref<64xi32, #tpu.memory_space<vmem>>
        %dma_wait3A_42 = arith.constant 0 : i32
        %dma_wait3A_43 = arith.constant 0 : i32
        %dma_wait3A_44 = tpu.memref_slice %arg13[%dma_wait3A_42, %dma_wait3A_43] : memref<10112x128xf32, #tpu.memory_space<vmem_shared>> -> memref<10112x128xf32, #tpu.memory_space<vmem_shared>>
        tpu.wait_indirect_dma semaphore(%run_scoped3A : memref<!tpu.dma_semaphore, #tpu.memory_space<semaphore_mem>>) src(%arg9 : memref<64x128xf32, #tpu.memory_space<vmem>>) dst(%dma_wait3A_44 : memref<10112x128xf32, #tpu.memory_space<vmem_shared>>)
        tpu.yield
      }) : () -> ()
      %ne3A = arith.constant 79 : i32
      %ne3A_31 = arith.cmpi ne, %scan3A_17, %ne3A : i32
      %convert_element_type3A = arith.extui %ne3A_31 : i1 to i32
      %cond3A = arith.constant 0 : i32
      %cond3A_32 = arith.cmpi ne, %convert_element_type3A, %cond3A : i32
      scf.if %cond3A_32 {
        %add3A_37 = arith.constant 64 : i32
        %add3A_38 = arith.addi %add3A_23, %add3A_37 : i32
        %dma_start3A_39 = tpu.memref_slice %arg7[%add3A_38] : memref<10240xi32, #tpu.memory_space<vmem>> -> memref<64xi32, #tpu.memory_space<vmem>>
        %dma_start3A_40 = arith.constant 0 : i32
        %dma_start3A_41 = arith.constant 0 : i32
        %dma_start3A_42 = tpu.memref_slice %arg2[%dma_start3A_40, %dma_start3A_41] : memref<10000x128xf32, #tpu.memory_space<hbm>> -> memref<10000x128xf32, #tpu.memory_space<hbm>>
        tpu.enqueue_indirect_dma source(%dma_start3A_42 : memref<10000x128xf32, #tpu.memory_space<hbm>>) target(%arg9 : memref<64x128xf32, #tpu.memory_space<vmem>>) offsets(%dma_start3A_39 : memref<64xi32, #tpu.memory_space<vmem>>) semaphore(%arg11 : memref<!tpu.dma_semaphore, #tpu.memory_space<semaphore_mem>>)
      } else {
      }
      %dma_wait3A_33 = tpu.memref_slice %arg7[%add3A_23] : memref<10240xi32, #tpu.memory_space<vmem>> -> memref<64xi32, #tpu.memory_space<vmem>>
      %dma_wait3A_34 = arith.constant 0 : i32
      %dma_wait3A_35 = arith.constant 0 : i32
      %dma_wait3A_36 = tpu.memref_slice %arg2[%dma_wait3A_34, %dma_wait3A_35] : memref<10000x128xf32, #tpu.memory_space<hbm>> -> memref<10000x128xf32, #tpu.memory_space<hbm>>
      tpu.wait_indirect_dma semaphore(%arg12 : memref<!tpu.dma_semaphore, #tpu.memory_space<semaphore_mem>>) src(%dma_wait3A_36 : memref<10000x128xf32, #tpu.memory_space<hbm>>) dst(%arg10 : memref<64x128xf32, #tpu.memory_space<vmem>>)
      "tpu.region"() ({
        %run_scoped3A = tpu.sem_alloc : memref<!tpu.dma_semaphore, #tpu.memory_space<semaphore_mem>>
        %dma_start3A_37 = tpu.memref_slice %arg8[%add3A_23] : memref<10240xi32, #tpu.memory_space<vmem>> -> memref<64xi32, #tpu.memory_space<vmem>>
        %dma_start3A_38 = arith.constant 0 : i32
        %dma_start3A_39 = arith.constant 0 : i32
        %dma_start3A_40 = tpu.memref_slice %arg13[%dma_start3A_38, %dma_start3A_39] : memref<10112x128xf32, #tpu.memory_space<vmem_shared>> -> memref<10112x128xf32, #tpu.memory_space<vmem_shared>>
        tpu.enqueue_indirect_dma source(%arg10 : memref<64x128xf32, #tpu.memory_space<vmem>>) target(%dma_start3A_40 : memref<10112x128xf32, #tpu.memory_space<vmem_shared>>) offsets(%dma_start3A_37 : memref<64xi32, #tpu.memory_space<vmem>>) semaphore(%run_scoped3A : memref<!tpu.dma_semaphore, #tpu.memory_space<semaphore_mem>>) {add = true}
        %dma_wait3A_41 = tpu.memref_slice %arg8[%add3A_23] : memref<10240xi32, #tpu.memory_space<vmem>> -> memref<64xi32, #tpu.memory_space<vmem>>
        %dma_wait3A_42 = arith.constant 0 : i32
        %dma_wait3A_43 = arith.constant 0 : i32
        %dma_wait3A_44 = tpu.memref_slice %arg13[%dma_wait3A_42, %dma_wait3A_43] : memref<10112x128xf32, #tpu.memory_space<vmem_shared>> -> memref<10112x128xf32, #tpu.memory_space<vmem_shared>>
        tpu.wait_indirect_dma semaphore(%run_scoped3A : memref<!tpu.dma_semaphore, #tpu.memory_space<semaphore_mem>>) src(%arg10 : memref<64x128xf32, #tpu.memory_space<vmem>>) dst(%dma_wait3A_44 : memref<10112x128xf32, #tpu.memory_space<vmem_shared>>)
        tpu.yield
      }) : () -> ()
    }
    %scan3A_11 = arith.constant 80 : i32
    %barrier3A_12 = arith.constant 0 : index
    tpu.barrier barrier_id(%barrier3A_12)
    %mul3A_13 = arith.constant 632 : i32
    %mul3A_14 = arith.muli %arg1, %mul3A_13 : i32
    %mul3A_15 = arith.constant 632 : i32
    %mul3A_16 = arith.muli %arg1, %mul3A_15 : i32
    "tpu.region"() ({
      %run_scoped3A = tpu.sem_alloc : memref<!tpu.dma_semaphore, #tpu.memory_space<semaphore_mem>>
      %dma_start3A_17 = arith.constant 0 : i32
      %dma_start3A_18 = tpu.memref_slice %arg6[%arg0, %mul3A_16, %dma_start3A_17] : memref<2x10112x128xf32, #tpu.memory_space<hbm>> -> memref<1x632x128xf32, #tpu.memory_space<hbm>>
      %dma_start3A_19 = tpu.memref_squeeze %dma_start3A_18 : memref<1x632x128xf32, #tpu.memory_space<hbm>> -> memref<632x128xf32, #tpu.memory_space<hbm>>
      %dma_start3A_20 = arith.constant 0 : i32
      %dma_start3A_21 = tpu.memref_slice %arg13[%mul3A_14, %dma_start3A_20] : memref<10112x128xf32, #tpu.memory_space<vmem_shared>> -> memref<632x128xf32, #tpu.memory_space<vmem_shared>>
      tpu.enqueue_dma source(%dma_start3A_21 : memref<632x128xf32, #tpu.memory_space<vmem_shared>>) target(%dma_start3A_19 : memref<632x128xf32, #tpu.memory_space<hbm>>) target_semaphore(%run_scoped3A : memref<!tpu.dma_semaphore, #tpu.memory_space<semaphore_mem>>)
      %dma_wait3A = arith.constant 0 : i32
      %dma_wait3A_22 = tpu.memref_slice %arg6[%arg0, %mul3A_16, %dma_wait3A] : memref<2x10112x128xf32, #tpu.memory_space<hbm>> -> memref<1x632x128xf32, #tpu.memory_space<hbm>>
      %dma_wait3A_23 = tpu.memref_squeeze %dma_wait3A_22 : memref<1x632x128xf32, #tpu.memory_space<hbm>> -> memref<632x128xf32, #tpu.memory_space<hbm>>
      %dma_wait3A_24 = arith.constant 0 : i32
      %dma_wait3A_25 = tpu.memref_slice %arg13[%mul3A_14, %dma_wait3A_24] : memref<10112x128xf32, #tpu.memory_space<vmem_shared>> -> memref<632x128xf32, #tpu.memory_space<vmem_shared>>
      tpu.wait_dma2 semaphore(%run_scoped3A : memref<!tpu.dma_semaphore, #tpu.memory_space<semaphore_mem>>) src(%dma_wait3A_25 : memref<632x128xf32, #tpu.memory_space<vmem_shared>>) dst(%dma_wait3A_23 : memref<632x128xf32, #tpu.memory_space<hbm>>)
      tpu.yield
    }) : () -> ()
    return
  }
}

module attributes {stable_mosaic.version = 14 : i64} {
  func.func @body(%arg0: memref<10000x128xf32, #tpu.memory_space<vmem>>, %arg1: memref<128x128xf32, #tpu.memory_space<vmem>>, %arg2: memref<10000x128xf32, #tpu.memory_space<vmem>>) attributes {dimension_semantics = [], scalar_prefetch = 0 : i64, scratch_operands = 0 : i64, tpu.core_type = #tpu.core_type<tc>} {
    %get3A = arith.constant 0 : index
    %get3A_0 = arith.constant 0 : index
    %get3A_1 = vector.load %arg0[%get3A, %get3A_0] : memref<10000x128xf32, #tpu.memory_space<vmem>>, vector<10000x128xf32>
    %get3A_2 = arith.constant 0 : index
    %get3A_3 = arith.constant 0 : index
    %get3A_4 = vector.load %arg1[%get3A_2, %get3A_3] : memref<128x128xf32, #tpu.memory_space<vmem>>, vector<128x128xf32>
    %dot_general3A = arith.constant dense<0.000000e+00> : vector<10000x128xf32>
    %dot_general3A_5 = tpu.matmul %get3A_1, %get3A_4, %dot_general3A {dimension_numbers = #tpu.dot_dimension_numbers<[1], [0], [0], [1], [0, 0, 1, 1], [], []>, precision = #tpu.contract_precision<fp32>, transpose_lhs_hint = false} : vector<10000x128xf32>, vector<128x128xf32>, vector<10000x128xf32> -> vector<10000x128xf32>
    %swap3A = arith.constant 0 : index
    %swap3A_6 = arith.constant 0 : index
    %swap3A_7 = vector.load %arg2[%swap3A, %swap3A_6] : memref<10000x128xf32, #tpu.memory_space<vmem>>, vector<10000x128xf32>
    tpu.vector_store %arg2[%swap3A, %swap3A_6], %dot_general3A_5 {strides = array<i32>} : memref<10000x128xf32, #tpu.memory_space<vmem>>, vector<10000x128xf32>,
    return
  }
}

module attributes {stable_mosaic.version = 14 : i64} {
  func.func @body(%arg0: memref<160x2048xi32, #tpu.memory_space<vmem>>, %arg1: memref<128x128xf32, #tpu.memory_space<vmem>>) attributes {dimension_semantics = [], scalar_prefetch = 0 : i64, scratch_operands = 0 : i64, tpu.core_type = #tpu.core_type<tc>} {
    %iota3A = tpu.iota {dimensions = array<i32: 0>} : vector<128x1xi32>
    %broadcast_in_dim3A = arith.constant 0.000000e+00 : f32
    %broadcast_in_dim3A_0 = vector.broadcast %broadcast_in_dim3A : f32 to vector<128x128xf32>
    %scan3A = arith.constant 0 : i32
    %scan3A_1 = arith.constant 20 : i32
    %scan3A_2 = arith.addi %scan3A, %scan3A_1 : i32
    %scan3A_3 = arith.constant 1 : i32
    %scan3A_4 = scf.for %scan3A_8 = %scan3A to %scan3A_2 step %scan3A_3 iter_args(%scan3A_9 = %broadcast_in_dim3A_0) -> (vector<128x128xf32>)  : i32 {
      %mul3A = arith.constant 8 : i32
      %mul3A_10 = arith.muli %scan3A_8, %mul3A : i32
      %get3A = arith.index_cast %mul3A_10 : i32 to index
      %get3A_11 = arith.constant 0 : index
      %get3A_12 = vector.load %arg0[%get3A, %get3A_11] : memref<160x2048xi32, #tpu.memory_space<vmem>>, vector<8x2048xi32>
      %slice3A = vector.extract_strided_slice %get3A_12 {offsets = [0, 0], sizes = [1, 2048], strides = [1, 1]} : vector<8x2048xi32> to vector<1x2048xi32>
      %shift_right_arithmetic3A = arith.constant 7 : i32
      %shift_right_arithmetic3A_13 = vector.broadcast %shift_right_arithmetic3A : i32 to vector<1x2048xi32>
      %shift_right_arithmetic3A_14 = arith.shrsi %slice3A, %shift_right_arithmetic3A_13 : vector<1x2048xi32>
      %eq3A = vector.broadcast %shift_right_arithmetic3A_14 : vector<1x2048xi32> to vector<128x2048xi32>
      %eq3A_15 = vector.broadcast %iota3A : vector<128x1xi32> to vector<128x2048xi32>
      %eq3A_16 = arith.cmpi eq, %eq3A, %eq3A_15 : vector<128x2048xi32>
      %convert_element_type3A = arith.extui %eq3A_16 : vector<128x2048xi1> to vector<128x2048xi32>
      %convert_element_type3A_17 = arith.sitofp %convert_element_type3A : vector<128x2048xi32> to vector<128x2048xf32>
      %and3A = arith.constant 127 : i32
      %and3A_18 = vector.broadcast %and3A : i32 to vector<1x2048xi32>
      %and3A_19 = arith.andi %slice3A, %and3A_18 : vector<1x2048xi32>
      %eq3A_20 = vector.broadcast %and3A_19 : vector<1x2048xi32> to vector<128x2048xi32>
      %eq3A_21 = vector.broadcast %iota3A : vector<128x1xi32> to vector<128x2048xi32>
      %eq3A_22 = arith.cmpi eq, %eq3A_20, %eq3A_21 : vector<128x2048xi32>
      %convert_element_type3A_23 = arith.extui %eq3A_22 : vector<128x2048xi1> to vector<128x2048xi32>
      %convert_element_type3A_24 = arith.sitofp %convert_element_type3A_23 : vector<128x2048xi32> to vector<128x2048xf32>
      %dot_general3A = arith.constant dense<0.000000e+00> : vector<128x128xf32>
      %dot_general3A_25 = tpu.matmul %convert_element_type3A_17, %convert_element_type3A_24, %dot_general3A {dimension_numbers = #tpu.dot_dimension_numbers<[1], [1], [0], [0], [0, 0, 1, 0], [], []>, precision = #tpu.contract_precision<fp32>, transpose_lhs_hint = false} : vector<128x2048xf32>, vector<128x2048xf32>, vector<128x128xf32> -> vector<128x128xf32>
      %add3A = arith.addf %scan3A_9, %dot_general3A_25 : vector<128x128xf32>
      %slice3A_26 = vector.extract_strided_slice %get3A_12 {offsets = [1, 0], sizes = [1, 2048], strides = [1, 1]} : vector<8x2048xi32> to vector<1x2048xi32>
      %shift_right_arithmetic3A_27 = arith.constant 7 : i32
      %shift_right_arithmetic3A_28 = vector.broadcast %shift_right_arithmetic3A_27 : i32 to vector<1x2048xi32>
      %shift_right_arithmetic3A_29 = arith.shrsi %slice3A_26, %shift_right_arithmetic3A_28 : vector<1x2048xi32>
      %eq3A_30 = vector.broadcast %shift_right_arithmetic3A_29 : vector<1x2048xi32> to vector<128x2048xi32>
      %eq3A_31 = vector.broadcast %iota3A : vector<128x1xi32> to vector<128x2048xi32>
      %eq3A_32 = arith.cmpi eq, %eq3A_30, %eq3A_31 : vector<128x2048xi32>
      %convert_element_type3A_33 = arith.extui %eq3A_32 : vector<128x2048xi1> to vector<128x2048xi32>
      %convert_element_type3A_34 = arith.sitofp %convert_element_type3A_33 : vector<128x2048xi32> to vector<128x2048xf32>
      %and3A_35 = arith.constant 127 : i32
      %and3A_36 = vector.broadcast %and3A_35 : i32 to vector<1x2048xi32>
      %and3A_37 = arith.andi %slice3A_26, %and3A_36 : vector<1x2048xi32>
      %eq3A_38 = vector.broadcast %and3A_37 : vector<1x2048xi32> to vector<128x2048xi32>
      %eq3A_39 = vector.broadcast %iota3A : vector<128x1xi32> to vector<128x2048xi32>
      %eq3A_40 = arith.cmpi eq, %eq3A_38, %eq3A_39 : vector<128x2048xi32>
      %convert_element_type3A_41 = arith.extui %eq3A_40 : vector<128x2048xi1> to vector<128x2048xi32>
      %convert_element_type3A_42 = arith.sitofp %convert_element_type3A_41 : vector<128x2048xi32> to vector<128x2048xf32>
      %dot_general3A_43 = arith.constant dense<0.000000e+00> : vector<128x128xf32>
      %dot_general3A_44 = tpu.matmul %convert_element_type3A_34, %convert_element_type3A_42, %dot_general3A_43 {dimension_numbers = #tpu.dot_dimension_numbers<[1], [1], [0], [0], [0, 0, 1, 0], [], []>, precision = #tpu.contract_precision<fp32>, transpose_lhs_hint = false} : vector<128x2048xf32>, vector<128x2048xf32>, vector<128x128xf32> -> vector<128x128xf32>
      %add3A_45 = arith.addf %add3A, %dot_general3A_44 : vector<128x128xf32>
      %slice3A_46 = vector.extract_strided_slice %get3A_12 {offsets = [2, 0], sizes = [1, 2048], strides = [1, 1]} : vector<8x2048xi32> to vector<1x2048xi32>
      %shift_right_arithmetic3A_47 = arith.constant 7 : i32
      %shift_right_arithmetic3A_48 = vector.broadcast %shift_right_arithmetic3A_47 : i32 to vector<1x2048xi32>
      %shift_right_arithmetic3A_49 = arith.shrsi %slice3A_46, %shift_right_arithmetic3A_48 : vector<1x2048xi32>
      %eq3A_50 = vector.broadcast %shift_right_arithmetic3A_49 : vector<1x2048xi32> to vector<128x2048xi32>
      %eq3A_51 = vector.broadcast %iota3A : vector<128x1xi32> to vector<128x2048xi32>
      %eq3A_52 = arith.cmpi eq, %eq3A_50, %eq3A_51 : vector<128x2048xi32>
      %convert_element_type3A_53 = arith.extui %eq3A_52 : vector<128x2048xi1> to vector<128x2048xi32>
      %convert_element_type3A_54 = arith.sitofp %convert_element_type3A_53 : vector<128x2048xi32> to vector<128x2048xf32>
      %and3A_55 = arith.constant 127 : i32
      %and3A_56 = vector.broadcast %and3A_55 : i32 to vector<1x2048xi32>
      %and3A_57 = arith.andi %slice3A_46, %and3A_56 : vector<1x2048xi32>
      %eq3A_58 = vector.broadcast %and3A_57 : vector<1x2048xi32> to vector<128x2048xi32>
      %eq3A_59 = vector.broadcast %iota3A : vector<128x1xi32> to vector<128x2048xi32>
      %eq3A_60 = arith.cmpi eq, %eq3A_58, %eq3A_59 : vector<128x2048xi32>
      %convert_element_type3A_61 = arith.extui %eq3A_60 : vector<128x2048xi1> to vector<128x2048xi32>
      %convert_element_type3A_62 = arith.sitofp %convert_element_type3A_61 : vector<128x2048xi32> to vector<128x2048xf32>
      %dot_general3A_63 = arith.constant dense<0.000000e+00> : vector<128x128xf32>
      %dot_general3A_64 = tpu.matmul %convert_element_type3A_54, %convert_element_type3A_62, %dot_general3A_63 {dimension_numbers = #tpu.dot_dimension_numbers<[1], [1], [0], [0], [0, 0, 1, 0], [], []>, precision = #tpu.contract_precision<fp32>, transpose_lhs_hint = false} : vector<128x2048xf32>, vector<128x2048xf32>, vector<128x128xf32> -> vector<128x128xf32>
      %add3A_65 = arith.addf %add3A_45, %dot_general3A_64 : vector<128x128xf32>
      %slice3A_66 = vector.extract_strided_slice %get3A_12 {offsets = [3, 0], sizes = [1, 2048], strides = [1, 1]} : vector<8x2048xi32> to vector<1x2048xi32>
      %shift_right_arithmetic3A_67 = arith.constant 7 : i32
      %shift_right_arithmetic3A_68 = vector.broadcast %shift_right_arithmetic3A_67 : i32 to vector<1x2048xi32>
      %shift_right_arithmetic3A_69 = arith.shrsi %slice3A_66, %shift_right_arithmetic3A_68 : vector<1x2048xi32>
      %eq3A_70 = vector.broadcast %shift_right_arithmetic3A_69 : vector<1x2048xi32> to vector<128x2048xi32>
      %eq3A_71 = vector.broadcast %iota3A : vector<128x1xi32> to vector<128x2048xi32>
      %eq3A_72 = arith.cmpi eq, %eq3A_70, %eq3A_71 : vector<128x2048xi32>
      %convert_element_type3A_73 = arith.extui %eq3A_72 : vector<128x2048xi1> to vector<128x2048xi32>
      %convert_element_type3A_74 = arith.sitofp %convert_element_type3A_73 : vector<128x2048xi32> to vector<128x2048xf32>
      %and3A_75 = arith.constant 127 : i32
      %and3A_76 = vector.broadcast %and3A_75 : i32 to vector<1x2048xi32>
      %and3A_77 = arith.andi %slice3A_66, %and3A_76 : vector<1x2048xi32>
      %eq3A_78 = vector.broadcast %and3A_77 : vector<1x2048xi32> to vector<128x2048xi32>
      %eq3A_79 = vector.broadcast %iota3A : vector<128x1xi32> to vector<128x2048xi32>
      %eq3A_80 = arith.cmpi eq, %eq3A_78, %eq3A_79 : vector<128x2048xi32>
      %convert_element_type3A_81 = arith.extui %eq3A_80 : vector<128x2048xi1> to vector<128x2048xi32>
      %convert_element_type3A_82 = arith.sitofp %convert_element_type3A_81 : vector<128x2048xi32> to vector<128x2048xf32>
      %dot_general3A_83 = arith.constant dense<0.000000e+00> : vector<128x128xf32>
      %dot_general3A_84 = tpu.matmul %convert_element_type3A_74, %convert_element_type3A_82, %dot_general3A_83 {dimension_numbers = #tpu.dot_dimension_numbers<[1], [1], [0], [0], [0, 0, 1, 0], [], []>, precision = #tpu.contract_precision<fp32>, transpose_lhs_hint = false} : vector<128x2048xf32>, vector<128x2048xf32>, vector<128x128xf32> -> vector<128x128xf32>
      %add3A_85 = arith.addf %add3A_65, %dot_general3A_84 : vector<128x128xf32>
      %slice3A_86 = vector.extract_strided_slice %get3A_12 {offsets = [4, 0], sizes = [1, 2048], strides = [1, 1]} : vector<8x2048xi32> to vector<1x2048xi32>
      %shift_right_arithmetic3A_87 = arith.constant 7 : i32
      %shift_right_arithmetic3A_88 = vector.broadcast %shift_right_arithmetic3A_87 : i32 to vector<1x2048xi32>
      %shift_right_arithmetic3A_89 = arith.shrsi %slice3A_86, %shift_right_arithmetic3A_88 : vector<1x2048xi32>
      %eq3A_90 = vector.broadcast %shift_right_arithmetic3A_89 : vector<1x2048xi32> to vector<128x2048xi32>
      %eq3A_91 = vector.broadcast %iota3A : vector<128x1xi32> to vector<128x2048xi32>
      %eq3A_92 = arith.cmpi eq, %eq3A_90, %eq3A_91 : vector<128x2048xi32>
      %convert_element_type3A_93 = arith.extui %eq3A_92 : vector<128x2048xi1> to vector<128x2048xi32>
      %convert_element_type3A_94 = arith.sitofp %convert_element_type3A_93 : vector<128x2048xi32> to vector<128x2048xf32>
      %and3A_95 = arith.constant 127 : i32
      %and3A_96 = vector.broadcast %and3A_95 : i32 to vector<1x2048xi32>
      %and3A_97 = arith.andi %slice3A_86, %and3A_96 : vector<1x2048xi32>
      %eq3A_98 = vector.broadcast %and3A_97 : vector<1x2048xi32> to vector<128x2048xi32>
      %eq3A_99 = vector.broadcast %iota3A : vector<128x1xi32> to vector<128x2048xi32>
      %eq3A_100 = arith.cmpi eq, %eq3A_98, %eq3A_99 : vector<128x2048xi32>
      %convert_element_type3A_101 = arith.extui %eq3A_100 : vector<128x2048xi1> to vector<128x2048xi32>
      %convert_element_type3A_102 = arith.sitofp %convert_element_type3A_101 : vector<128x2048xi32> to vector<128x2048xf32>
      %dot_general3A_103 = arith.constant dense<0.000000e+00> : vector<128x128xf32>
      %dot_general3A_104 = tpu.matmul %convert_element_type3A_94, %convert_element_type3A_102, %dot_general3A_103 {dimension_numbers = #tpu.dot_dimension_numbers<[1], [1], [0], [0], [0, 0, 1, 0], [], []>, precision = #tpu.contract_precision<fp32>, transpose_lhs_hint = false} : vector<128x2048xf32>, vector<128x2048xf32>, vector<128x128xf32> -> vector<128x128xf32>
      %add3A_105 = arith.addf %add3A_85, %dot_general3A_104 : vector<128x128xf32>
      %slice3A_106 = vector.extract_strided_slice %get3A_12 {offsets = [5, 0], sizes = [1, 2048], strides = [1, 1]} : vector<8x2048xi32> to vector<1x2048xi32>
      %shift_right_arithmetic3A_107 = arith.constant 7 : i32
      %shift_right_arithmetic3A_108 = vector.broadcast %shift_right_arithmetic3A_107 : i32 to vector<1x2048xi32>
      %shift_right_arithmetic3A_109 = arith.shrsi %slice3A_106, %shift_right_arithmetic3A_108 : vector<1x2048xi32>
      %eq3A_110 = vector.broadcast %shift_right_arithmetic3A_109 : vector<1x2048xi32> to vector<128x2048xi32>
      %eq3A_111 = vector.broadcast %iota3A : vector<128x1xi32> to vector<128x2048xi32>
      %eq3A_112 = arith.cmpi eq, %eq3A_110, %eq3A_111 : vector<128x2048xi32>
      %convert_element_type3A_113 = arith.extui %eq3A_112 : vector<128x2048xi1> to vector<128x2048xi32>
      %convert_element_type3A_114 = arith.sitofp %convert_element_type3A_113 : vector<128x2048xi32> to vector<128x2048xf32>
      %and3A_115 = arith.constant 127 : i32
      %and3A_116 = vector.broadcast %and3A_115 : i32 to vector<1x2048xi32>
      %and3A_117 = arith.andi %slice3A_106, %and3A_116 : vector<1x2048xi32>
      %eq3A_118 = vector.broadcast %and3A_117 : vector<1x2048xi32> to vector<128x2048xi32>
      %eq3A_119 = vector.broadcast %iota3A : vector<128x1xi32> to vector<128x2048xi32>
      %eq3A_120 = arith.cmpi eq, %eq3A_118, %eq3A_119 : vector<128x2048xi32>
      %convert_element_type3A_121 = arith.extui %eq3A_120 : vector<128x2048xi1> to vector<128x2048xi32>
      %convert_element_type3A_122 = arith.sitofp %convert_element_type3A_121 : vector<128x2048xi32> to vector<128x2048xf32>
      %dot_general3A_123 = arith.constant dense<0.000000e+00> : vector<128x128xf32>
      %dot_general3A_124 = tpu.matmul %convert_element_type3A_114, %convert_element_type3A_122, %dot_general3A_123 {dimension_numbers = #tpu.dot_dimension_numbers<[1], [1], [0], [0], [0, 0, 1, 0], [], []>, precision = #tpu.contract_precision<fp32>, transpose_lhs_hint = false} : vector<128x2048xf32>, vector<128x2048xf32>, vector<128x128xf32> -> vector<128x128xf32>
      %add3A_125 = arith.addf %add3A_105, %dot_general3A_124 : vector<128x128xf32>
      %slice3A_126 = vector.extract_strided_slice %get3A_12 {offsets = [6, 0], sizes = [1, 2048], strides = [1, 1]} : vector<8x2048xi32> to vector<1x2048xi32>
      %shift_right_arithmetic3A_127 = arith.constant 7 : i32
      %shift_right_arithmetic3A_128 = vector.broadcast %shift_right_arithmetic3A_127 : i32 to vector<1x2048xi32>
      %shift_right_arithmetic3A_129 = arith.shrsi %slice3A_126, %shift_right_arithmetic3A_128 : vector<1x2048xi32>
      %eq3A_130 = vector.broadcast %shift_right_arithmetic3A_129 : vector<1x2048xi32> to vector<128x2048xi32>
      %eq3A_131 = vector.broadcast %iota3A : vector<128x1xi32> to vector<128x2048xi32>
      %eq3A_132 = arith.cmpi eq, %eq3A_130, %eq3A_131 : vector<128x2048xi32>
      %convert_element_type3A_133 = arith.extui %eq3A_132 : vector<128x2048xi1> to vector<128x2048xi32>
      %convert_element_type3A_134 = arith.sitofp %convert_element_type3A_133 : vector<128x2048xi32> to vector<128x2048xf32>
      %and3A_135 = arith.constant 127 : i32
      %and3A_136 = vector.broadcast %and3A_135 : i32 to vector<1x2048xi32>
      %and3A_137 = arith.andi %slice3A_126, %and3A_136 : vector<1x2048xi32>
      %eq3A_138 = vector.broadcast %and3A_137 : vector<1x2048xi32> to vector<128x2048xi32>
      %eq3A_139 = vector.broadcast %iota3A : vector<128x1xi32> to vector<128x2048xi32>
      %eq3A_140 = arith.cmpi eq, %eq3A_138, %eq3A_139 : vector<128x2048xi32>
      %convert_element_type3A_141 = arith.extui %eq3A_140 : vector<128x2048xi1> to vector<128x2048xi32>
      %convert_element_type3A_142 = arith.sitofp %convert_element_type3A_141 : vector<128x2048xi32> to vector<128x2048xf32>
      %dot_general3A_143 = arith.constant dense<0.000000e+00> : vector<128x128xf32>
      %dot_general3A_144 = tpu.matmul %convert_element_type3A_134, %convert_element_type3A_142, %dot_general3A_143 {dimension_numbers = #tpu.dot_dimension_numbers<[1], [1], [0], [0], [0, 0, 1, 0], [], []>, precision = #tpu.contract_precision<fp32>, transpose_lhs_hint = false} : vector<128x2048xf32>, vector<128x2048xf32>, vector<128x128xf32> -> vector<128x128xf32>
      %add3A_145 = arith.addf %add3A_125, %dot_general3A_144 : vector<128x128xf32>
      %slice3A_146 = vector.extract_strided_slice %get3A_12 {offsets = [7, 0], sizes = [1, 2048], strides = [1, 1]} : vector<8x2048xi32> to vector<1x2048xi32>
      %shift_right_arithmetic3A_147 = arith.constant 7 : i32
      %shift_right_arithmetic3A_148 = vector.broadcast %shift_right_arithmetic3A_147 : i32 to vector<1x2048xi32>
      %shift_right_arithmetic3A_149 = arith.shrsi %slice3A_146, %shift_right_arithmetic3A_148 : vector<1x2048xi32>
      %eq3A_150 = vector.broadcast %shift_right_arithmetic3A_149 : vector<1x2048xi32> to vector<128x2048xi32>
      %eq3A_151 = vector.broadcast %iota3A : vector<128x1xi32> to vector<128x2048xi32>
      %eq3A_152 = arith.cmpi eq, %eq3A_150, %eq3A_151 : vector<128x2048xi32>
      %convert_element_type3A_153 = arith.extui %eq3A_152 : vector<128x2048xi1> to vector<128x2048xi32>
      %convert_element_type3A_154 = arith.sitofp %convert_element_type3A_153 : vector<128x2048xi32> to vector<128x2048xf32>
      %and3A_155 = arith.constant 127 : i32
      %and3A_156 = vector.broadcast %and3A_155 : i32 to vector<1x2048xi32>
      %and3A_157 = arith.andi %slice3A_146, %and3A_156 : vector<1x2048xi32>
      %eq3A_158 = vector.broadcast %and3A_157 : vector<1x2048xi32> to vector<128x2048xi32>
      %eq3A_159 = vector.broadcast %iota3A : vector<128x1xi32> to vector<128x2048xi32>
      %eq3A_160 = arith.cmpi eq, %eq3A_158, %eq3A_159 : vector<128x2048xi32>
      %convert_element_type3A_161 = arith.extui %eq3A_160 : vector<128x2048xi1> to vector<128x2048xi32>
      %convert_element_type3A_162 = arith.sitofp %convert_element_type3A_161 : vector<128x2048xi32> to vector<128x2048xf32>
      %dot_general3A_163 = arith.constant dense<0.000000e+00> : vector<128x128xf32>
      %dot_general3A_164 = tpu.matmul %convert_element_type3A_154, %convert_element_type3A_162, %dot_general3A_163 {dimension_numbers = #tpu.dot_dimension_numbers<[1], [1], [0], [0], [0, 0, 1, 0], [], []>, precision = #tpu.contract_precision<fp32>, transpose_lhs_hint = false} : vector<128x2048xf32>, vector<128x2048xf32>, vector<128x128xf32> -> vector<128x128xf32>
      %add3A_165 = arith.addf %add3A_145, %dot_general3A_164 : vector<128x128xf32>
      scf.yield %add3A_165 : vector<128x128xf32>
    }
    %scan3A_5 = arith.constant 20 : i32
    %swap3A = arith.constant 0 : index
    %swap3A_6 = arith.constant 0 : index
    %swap3A_7 = vector.load %arg1[%swap3A, %swap3A_6] : memref<128x128xf32, #tpu.memory_space<vmem>>, vector<128x128xf32>
    tpu.vector_store %arg1[%swap3A, %swap3A_6], %scan3A_4 {strides = array<i32>} : memref<128x128xf32, #tpu.memory_space<vmem>>, vector<128x128xf32>,
    return
  }
}

module attributes {stable_mosaic.version = 14 : i64} {
  func.func @body(%arg0: memref<10000x128xf32, #tpu.memory_space<vmem>>, %arg1: memref<10000x128xf32, #tpu.memory_space<vmem>>, %arg2: memref<10000x1xf32, #tpu.memory_space<vmem>>, %arg3: memref<10000x1xi32, #tpu.memory_space<vmem>>, %arg4: memref<1x128xf32, #tpu.memory_space<vmem>>, %arg5: memref<128x256xf32, #tpu.memory_space<vmem>>, %arg6: memref<1x256xf32, #tpu.memory_space<vmem>>, %arg7: memref<256x10xf32, #tpu.memory_space<vmem>>, %arg8: memref<1x10xf32, #tpu.memory_space<vmem>>, %arg9: memref<64x10xf32, #tpu.memory_space<vmem>>) attributes {dimension_semantics = [], scalar_prefetch = 0 : i64, scratch_operands = 0 : i64, tpu.core_type = #tpu.core_type<tc>} {
    %get3A = arith.constant 0 : index
    %get3A_0 = arith.constant 0 : index
    %get3A_1 = vector.load %arg2[%get3A, %get3A_0] : memref<10000x1xf32, #tpu.memory_space<vmem>>, vector<10000x1xf32>
    %max3A = arith.constant 1.000000e+00 : f32
    %max3A_2 = vector.broadcast %max3A : f32 to vector<10000x1xf32>
    %max3A_3 = arith.maximumf %get3A_1, %max3A_2 : vector<10000x1xf32>
    %get3A_4 = arith.constant 0 : index
    %get3A_5 = arith.constant 0 : index
    %get3A_6 = vector.load %arg0[%get3A_4, %get3A_5] : memref<10000x128xf32, #tpu.memory_space<vmem>>, vector<10000x128xf32>
    %get3A_7 = arith.constant 0 : index
    %get3A_8 = arith.constant 0 : index
    %get3A_9 = vector.load %arg1[%get3A_7, %get3A_8] : memref<10000x128xf32, #tpu.memory_space<vmem>>, vector<10000x128xf32>
    %add3A = arith.addf %get3A_6, %get3A_9 : vector<10000x128xf32>
    %div3A = vector.broadcast %max3A_3 : vector<10000x1xf32> to vector<10000x128xf32>
    %div3A_10 = arith.divf %add3A, %div3A : vector<10000x128xf32>
    %get3A_11 = arith.constant 0 : index
    %get3A_12 = arith.constant 0 : index
    %get3A_13 = vector.load %arg4[%get3A_11, %get3A_12] : memref<1x128xf32, #tpu.memory_space<vmem>>, vector<1x128xf32>
    %add3A_14 = vector.broadcast %get3A_13 : vector<1x128xf32> to vector<10000x128xf32>
    %add3A_15 = arith.addf %div3A_10, %add3A_14 : vector<10000x128xf32>
    %max3A_16 = arith.constant 0.000000e+00 : f32
    %max3A_17 = vector.broadcast %max3A_16 : f32 to vector<10000x128xf32>
    %max3A_18 = arith.maximumf %add3A_15, %max3A_17 : vector<10000x128xf32>
    %iota3A = tpu.iota {dimensions = array<i32: 1>} : vector<1x64xi32>
    %get3A_19 = arith.constant 0 : index
    %get3A_20 = arith.constant 0 : index
    %get3A_21 = vector.load %arg3[%get3A_19, %get3A_20] : memref<10000x1xi32, #tpu.memory_space<vmem>>, vector<10000x1xi32>
    %eq3A = vector.broadcast %get3A_21 : vector<10000x1xi32> to vector<10000x64xi32>
    %eq3A_22 = vector.broadcast %iota3A : vector<1x64xi32> to vector<10000x64xi32>
    %eq3A_23 = arith.cmpi eq, %eq3A, %eq3A_22 : vector<10000x64xi32>
    %convert_element_type3A = arith.extui %eq3A_23 : vector<10000x64xi1> to vector<10000x64xi32>
    %convert_element_type3A_24 = arith.sitofp %convert_element_type3A : vector<10000x64xi32> to vector<10000x64xf32>
    %dot_general3A = arith.constant dense<0.000000e+00> : vector<64x128xf32>
    %dot_general3A_25 = tpu.matmul %convert_element_type3A_24, %max3A_18, %dot_general3A {dimension_numbers = #tpu.dot_dimension_numbers<[0], [0], [1], [1], [0, 1, 1, 1], [], []>, precision = #tpu.contract_precision<fp32>, transpose_lhs_hint = false} : vector<10000x64xf32>, vector<10000x128xf32>, vector<64x128xf32> -> vector<64x128xf32>
    %broadcast_in_dim3A = arith.constant 1.000000e+00 : f32
    %broadcast_in_dim3A_26 = vector.broadcast %broadcast_in_dim3A : f32 to vector<10000x1xf32>
    %dot_general3A_27 = arith.constant dense<0.000000e+00> : vector<64x1xf32>
    %dot_general3A_28 = tpu.matmul %convert_element_type3A_24, %broadcast_in_dim3A_26, %dot_general3A_27 {dimension_numbers = #tpu.dot_dimension_numbers<[0], [0], [1], [1], [0, 1, 1, 1], [], []>, precision = #tpu.contract_precision<fp32>, transpose_lhs_hint = false} : vector<10000x64xf32>, vector<10000x1xf32>, vector<64x1xf32> -> vector<64x1xf32>
    %max3A_29 = arith.constant 1.000000e+00 : f32
    %max3A_30 = vector.broadcast %max3A_29 : f32 to vector<64x1xf32>
    %max3A_31 = arith.maximumf %dot_general3A_28, %max3A_30 : vector<64x1xf32>
    %div3A_32 = vector.broadcast %max3A_31 : vector<64x1xf32> to vector<64x128xf32>
    %div3A_33 = arith.divf %dot_general3A_25, %div3A_32 : vector<64x128xf32>
    %get3A_34 = arith.constant 0 : index
    %get3A_35 = arith.constant 0 : index
    %get3A_36 = vector.load %arg5[%get3A_34, %get3A_35] : memref<128x256xf32, #tpu.memory_space<vmem>>, vector<128x256xf32>
    %dot_general3A_37 = arith.constant dense<0.000000e+00> : vector<64x256xf32>
    %dot_general3A_38 = tpu.matmul %div3A_33, %get3A_36, %dot_general3A_37 {dimension_numbers = #tpu.dot_dimension_numbers<[1], [0], [0], [1], [0, 0, 1, 1], [], []>, precision = #tpu.contract_precision<fp32>, transpose_lhs_hint = false} : vector<64x128xf32>, vector<128x256xf32>, vector<64x256xf32> -> vector<64x256xf32>
    %get3A_39 = arith.constant 0 : index
    %get3A_40 = arith.constant 0 : index
    %get3A_41 = vector.load %arg6[%get3A_39, %get3A_40] : memref<1x256xf32, #tpu.memory_space<vmem>>, vector<1x256xf32>
    %add3A_42 = vector.broadcast %get3A_41 : vector<1x256xf32> to vector<64x256xf32>
    %add3A_43 = arith.addf %dot_general3A_38, %add3A_42 : vector<64x256xf32>
    %max3A_44 = arith.constant 0.000000e+00 : f32
    %max3A_45 = vector.broadcast %max3A_44 : f32 to vector<64x256xf32>
    %max3A_46 = arith.maximumf %add3A_43, %max3A_45 : vector<64x256xf32>
    %get3A_47 = arith.constant 0 : index
    %get3A_48 = arith.constant 0 : index
    %get3A_49 = vector.load %arg7[%get3A_47, %get3A_48] : memref<256x10xf32, #tpu.memory_space<vmem>>, vector<256x10xf32>
    %dot_general3A_50 = arith.constant dense<0.000000e+00> : vector<64x10xf32>
    %dot_general3A_51 = tpu.matmul %max3A_46, %get3A_49, %dot_general3A_50 {dimension_numbers = #tpu.dot_dimension_numbers<[1], [0], [0], [1], [0, 0, 1, 1], [], []>, precision = #tpu.contract_precision<fp32>, transpose_lhs_hint = false} : vector<64x256xf32>, vector<256x10xf32>, vector<64x10xf32> -> vector<64x10xf32>
    %get3A_52 = arith.constant 0 : index
    %get3A_53 = arith.constant 0 : index
    %get3A_54 = vector.load %arg8[%get3A_52, %get3A_53] : memref<1x10xf32, #tpu.memory_space<vmem>>, vector<1x10xf32>
    %add3A_55 = vector.broadcast %get3A_54 : vector<1x10xf32> to vector<64x10xf32>
    %add3A_56 = arith.addf %dot_general3A_51, %add3A_55 : vector<64x10xf32>
    %swap3A = arith.constant 0 : index
    %swap3A_57 = arith.constant 0 : index
    %swap3A_58 = vector.load %arg9[%swap3A, %swap3A_57] : memref<64x10xf32, #tpu.memory_space<vmem>>, vector<64x10xf32>
    tpu.vector_store %arg9[%swap3A, %swap3A_57], %add3A_56 {strides = array<i32>} : memref<64x10xf32, #tpu.memory_space<vmem>>, vector<64x10xf32>,
    return
  }
}

</mosaic_0001>

<sc_bundles>
// kernel: kernel.6.cloned.1.call-start
scs
__scs_entry_jumppad:
0x0: {  	(pc) =	sbr.rel $0x88, $3  }
0x1: {  	(tag) =	ssettag $0x0;
	lr =	simm.s32 $0x1  }
0x2: {  	[smem:$0x3F98] =	sst lr;
	_ =	strace $0xD0000000  }
0x3: {  	_ = 	snop  }
0x4: {  	_ = 	snop  }
0x5: {  	_ = 	snop  }
0x6: {  	_ = 	snop  }
0x7: {  	_ = 	snop  }
__scs_overlays_trampoline_lowered:
0x8: {  	[smem:$0x3FA7] =	sst s0  }
0x9: {  	[smem:$0x3FA8] =	sst s1  }
0xa: {  	[smem:$0x3FA9] =	sst s2  }
0xb: {  	[smem:$0x3FAA] =	sst s3  }
0xc: {  	[smem:$0x3FAB] =	sst s4  }
0xd: {  	[smem:$0x3FAC] =	sst s5  }
0xe: {  	[smem:$0x3FAD] =	sst s6  }
0xf: {  	[smem:$0x3FAE] =	sst s7  }
0x10: {  	[smem:$0x3FAF] =	sst s8  }
0x11: {  	[smem:$0x3FB0] =	sst s9;
	s0 =	simm.s32 @!p0 $0x0  }
0x12: {  	s1 =	sld [smem:$0x3F96];
	s0 =	simm.s32 @p0 $0x1  }
0x13: {  	[smem:$0x3FB1] =	sst s0;
	s0 =	simm.s32 @!p1 $0x0  }
0x14: {  	s2 =	sld [smem:$0x3F95];
	s0 =	simm.s32 @p1 $0x1  }
0x15: {  	[smem:$0x3FB2] =	sst s0;
	s0 =	simm.s32 @!p2 $0x0  }
0x16: {  	s3 =	sld [smem:$0x3FDB];
	s0 =	simm.s32 @p2 $0x1  }
0x17: {  	s4 =	simm.s32 $0x1BF5;
	[smem:$0x3FB4] =	sst s0  }
0x18: {  	s0 =	sld [smem:$0x3F97];
	_ =	swait.ge [sflag:s4], $0x0  }
0x19: {  	s7 =	sld [smem:$0x3F98]  }
0x1a: {  	s8 =	sadd.s32 $0xFFFFE003, lr  }
0x1b: {  	s9 =	sadd.s32 $0xFFFFFEF7, lr;
	s5 =	simm.s32 $0xFFFFFFFF;
	p2 =	slt.u32 s8, $0xFFFFF086  }
0x1c: {  	p1 =	slt.u32 s9, $0xF7A;
	s5 =	simm.s32 @!p2 $0x0  }
0x1d: {  	s5 =	simm.s32 @p1 $0x1;
	p0 =	seq.s32 s7, s2  }
0x1e: {  	s7 =	smul.u32 @!p0 $0xF7A, s2;
	p2 =	seq.s32 @!p0 s5, $0x0  }
0x1f: {  	s9 =	smul.u32 $0xF7A, s1;
	s8 =	simm.s32 @!p0 $0x1BF5;
	p2 =	por !p2, p0  }
0x20: {  	[sflag:s8] =	ssyncset.s32 @!p0 $0xFFFFF086;
	s6 =	sadd.s32 @!p0 s3, s7;
	s7 =	simm.s32 @!p0 $0x108  }
0x21: {  	s3 =	sadd.s32 s3, s9;
	s6 =	sadd.s32 @!p0 $0x88, s6;
	s7 =	simm.s32 @p2 $0x1082  }
0x22: {  	[simem:s7], [sflag:s8] =	dma.local @!p0 [hbm:s6], $0xF7A  }
0x23: {  	s9 =	sor.u32 $0xD0000000, s2;
	s6 =	simm.s32 $0x108;
	_ =	swait.ge @!p0 [sflag:s8], $0x0  }
0x24: {  	s3 =	sadd.s32 $0x88, s3;
	s6 =	simm.s32 @!p1 $0x1082;
	[sflag:s4] =	ssyncset.s32 $0xFFFFF086  }
0x25: {  	[simem:s6], [sflag:s4] =	dma.local [hbm:s3], $0xF7A  }
0x26: {  	[smem:$0x3F98] =	sst s1;
	(tag) =	ssettag s2;
	_ =	strace s9  }
0x27: {  	s1 =	sld [smem:$0x3FA8]  }
0x28: {  	s2 =	sld [smem:$0x3FA9]  }
0x29: {  	s4 =	sld [smem:$0x3FAB]  }
0x2a: {  	p0 =	seq.s32 s5, $0x0;
	s5 =	sld [smem:$0x3FAC]  }
0x2b: {  	s6 =	sld [smem:$0x3FAD]  }
0x2c: {  	s7 =	sld [smem:$0x3FAE]  }
0x2d: {  	s3 =	simm.s32 $0x108;
	s8 =	sld [smem:$0x3FAF]  }
0x2e: {  	s3 =	simm.s32 @!p0 $0x1082;
	s9 =	sld [smem:$0x3FB0]  }
0x2f: {  	lr =	sadd.s32 s0, s3;
	s0 =	sld [smem:$0x3FA7]  }
0x30: {  	s3 =	sld [smem:$0x3FAA]  }
0x31: {  	[smem:$0x3FB3] =	sst s10  }
0x32: {  	s10 =	sld [smem:$0x3FB1];
	_ =	sdelay $0x3  }
0x33: {  	p0 =	seq.s32 s10, $0x1;
	s10 =	sld [smem:$0x3FB3];
	_ =	sdelay $0x3  }
0x34: {  	[smem:$0x3FB3] =	sst s10  }
0x35: {  	s10 =	sld [smem:$0x3FB2];
	_ =	sdelay $0x3  }
0x36: {  	p1 =	seq.s32 s10, $0x1;
	s10 =	sld [smem:$0x3FB3];
	_ =	sdelay $0x3  }
0x37: {  	[smem:$0x3FB3] =	sst s10  }
0x38: {  	s10 =	sld [smem:$0x3FB4]  }
0x39: {  	_ = 	snop;
	(pc) =	sbr.ind lr, $3  }
0x3a: {  	_ = 	snop  }
0x3b: {  	_ = 	snop  }
0x3c: {  	p2 =	seq.s32 s10, $0x1;
	s10 =	sld [smem:$0x3FB3]  }
0x3d: {  	_ =	shalt  }
0x3e: {  	_ =	shalt  }
0x3f: {  	_ =	shalt  }
0x40: {  	_ =	shalt  }
0x41: {  	_ =	shalt  }
0x42: {  	_ =	shalt  }
0x43: {  	_ =	shalt  }
0x44: {  	_ =	shalt  }
0x45: {  	_ =	shalt  }
0x46: {  	_ =	shalt  }
0x47: {  	_ =	shalt  }
0x48: {  	_ =	shalt  }
0x49: {  	_ =	shalt  }
0x4a: {  	_ =	shalt  }
0x4b: {  	_ =	shalt  }
0x4c: {  	_ =	shalt  }
0x4d: {  	_ =	shalt  }
0x4e: {  	_ =	shalt  }
0x4f: {  	_ =	shalt  }
0x50: {  	_ =	shalt  }
0x51: {  	_ =	shalt  }
0x52: {  	_ =	shalt  }
0x53: {  	_ =	shalt  }
0x54: {  	_ =	shalt  }
0x55: {  	_ =	shalt  }
0x56: {  	_ =	shalt  }
0x57: {  	_ =	shalt  }
0x58: {  	_ =	shalt  }
0x59: {  	_ =	shalt  }
0x5a: {  	_ =	shalt  }
0x5b: {  	_ =	shalt  }
0x5c: {  	_ =	shalt  }
0x5d: {  	_ =	shalt  }
0x5e: {  	_ =	shalt  }
0x5f: {  	_ =	shalt  }
0x60: {  	_ =	shalt  }
0x61: {  	_ =	shalt  }
0x62: {  	_ =	shalt  }
0x63: {  	_ =	shalt  }
0x64: {  	_ =	shalt  }
0x65: {  	_ =	shalt  }
0x66: {  	_ =	shalt  }
0x67: {  	_ =	shalt  }
0x68: {  	_ =	shalt  }
0x69: {  	_ =	shalt  }
0x6a: {  	_ =	shalt  }
0x6b: {  	_ =	shalt  }
0x6c: {  	_ =	shalt  }
0x6d: {  	_ =	shalt  }
0x6e: {  	_ =	shalt  }
0x6f: {  	_ =	shalt  }
0x70: {  	_ =	shalt  }
0x71: {  	_ =	shalt  }
0x72: {  	_ =	shalt  }
0x73: {  	_ =	shalt  }
0x74: {  	_ =	shalt  }
0x75: {  	_ =	shalt  }
0x76: {  	_ =	shalt  }
0x77: {  	_ =	shalt  }
0x78: {  	_ =	shalt  }
0x79: {  	_ =	shalt  }
0x7a: {  	_ =	shalt  }
0x7b: {  	_ =	shalt  }
0x7c: {  	_ =	shalt  }
0x7d: {  	_ =	shalt  }
0x7e: {  	_ =	shalt  }
0x7f: {  	_ =	shalt  }
0x80: {  	_ =	shalt  }
0x81: {  	_ =	shalt  }
0x82: {  	_ =	shalt  }
0x83: {  	_ =	shalt  }
0x84: {  	_ =	shalt  }
0x85: {  	_ =	shalt  }
0x86: {  	_ =	shalt  }
0x87: {  	_ =	shalt  }
.Lfunc_end0:
.L_simem_size_0:
called_computation_lowered:
.L_overlay_start_0:
0x88: {  	s2 =	sld [smem:$0x3FD9]  }
0x89: {  	s3 =	sld [smem:$0x3FFE];
	_ =	sdelay $0x1  }
0x8a: {  	s1 =	srdreg.scid  }
0x8b: {  	s0 =	sand.u32 $0x1, s1  }
0x8c: {  	s16 =	sshll.u32 s0, $0xA;
	s2 =	sadd.s32 s3, s2  }
0x8d: {  	s2 =	sadd.s32 s2, s16  }
0x8e: {  	[smem:$0x3FBF] =	sst s2  }
0x8f: {  	_ = 	snop  }
0x90: {  	(tm) =	ssettm $0x1  }
0x91: {  	s17 =	sld [smem:$0x3FFB];
	_ =	sdelay $0x3  }
0x92: {  	_ =	strace s17  }
0x93: {  	s2 =	sld [smem:$0x3FFC];
	_ =	sdelay $0x3  }
0x94: {  	_ =	strace s2  }
0x95: {  	s2 =	sld [smem:$0x3FFD];
	_ =	sdelay $0x3  }
0x96: {  	_ =	strace s2  }
0x97: {  	_ =	strace $0x8FFFFFFF  }
0x98: {  	s18 =	sld [smem:$0x3FDB];
	_ =	sdelay $0x1  }
0x99: {  	s19 =	simm.s32 $_scs_section_size  }
0x9a: {  	s4 =	simm.s32 $_size__tile_overlayer_lowered;
	s5 =	simm.s32 $_tile_overlayer_lowered  }
0x9b: {  	s22 =	simm.s32 $0x1BFF;
	s21 =	sshll.u32 s5, $0x1;
	s2 =	sadd.s32 s19, s18  }
0x9c: {  	s6 =	simm.s32 $0x0;
	s20 =	sshll.u32 s4, $0x1;
	s4 =	sadd.s32 s21, s2  }
0x9d: {  	[timem:s6], [sflag:s22] =	dma.local [hbm:s4], s20  }
0x9e: {  	_ =	swait.ge [sflag:s22], s20  }
0x9f: {  	s3 =	ssub.s32 $0x0, s20;
	[sflag:s22] =	ssyncset.done $0x0  }
0xa0: {  	[sflag:s22] =	ssyncadd.s32 s3;
	_ =	sdelay $0x1  }
0xa1: {  	s23 =	simm.s32 $0x1B8B  }
0xa2: {  	_ =	swait.ge [sflag:s23], $0x1  }
0xa3: {  	[sflag:s23] =	ssyncset.done $0x0  }
0xa4: {  	s25 =	simm.s32 $0x1B8E;
	s24 =	sld [smem:$0x3FFE];
	[sflag:s23] =	ssyncadd.s32 $0xFFFFFFFF  }
0xa5: {  	s26 =	simm.s32 $execute0_lowered;
	[smem:$0x3FD2] =	sst s25  }
0xa6: {  	s4 =	sshll.u32 s26, $0x1;
	_ =	strace $0x80000046;
	[dreg:$0x1] =	wrdreg $0xFFFFFFFF  }
0xa7: {  	s28 =	simm.s32 $_size_execute0_lowered;
	s2 =	sadd.s32 s2, s4;
	[dreg:$0x0] =	wrdreg $0x0  }
0xa8: {  	s4 =	sshll.u32 s28, $0x1;
	[dreg:$0x2] =	wrdreg s2  }
0xa9: {  	[dreg:$0x3] =	wrdreg s4  }
0xaa: {  	[dreg:$0x4] =	wrdreg $0xC0  }
0xab: {  	_ =	task [dreg:s6], $0x5FFFF  }
0xac: {  	[dreg:$0x1] =	wrdreg $0xFFFFFFFF  }
0xad: {  	[dreg:$0x0] =	wrdreg $0x60  }
0xae: {  	[dreg:$0x2] =	wrdreg s24  }
0xaf: {  	[dreg:$0x3] =	wrdreg $0x90000  }
0xb0: {  	[dreg:$0x4] =	wrdreg $0x9  }
0xb1: {  	_ =	task.clear_ibuf [dreg:s6], $0x5FFFF;
	_ =	strace $0x90000046  }
0xb2: {  	s29 =	simm.s32 $0x9;
	_ =	strace $0x80000048  }
0xb3: {  	_ =	swait.ge [sflag:s29], $0x1  }
0xb4: {  	[sflag:s29] =	ssyncadd.s32 $0xFFFFFFFF  }
0xb5: {  	_ =	strace $0x90000048  }
0xb6: {  	_ =	sfence  }
0xb7: {  	s30 =	sld [smem:$0x0];
	_ =	sdelay $0x2  }
0xb8: {  	s31 =	sshll.u32 s1, $0xD;
	s1 =	sshrl.u32 s1, $0x2  }
0xb9: {  	s3 =	sand.u32 $0x4000, s31;
	s1 =	sadd.s32 s1, s30  }
0xba: {  	s0 =	sor.u32 s3, s0;
	s1 =	sshll.u32 s1, $0x11  }
0xbb: {  	s0 =	sor.u32 s1, s0  }
0xbc: {  	s0 =	sadd.s32 $0x8F2B, s0  }
0xbd: {  	[sflag:s0] =	ssyncadd.remote.s32 $0x1  }
0xbe: {  	_ =	sfence.sel $0xFFFF  }
0xbf: {  	[dreg:$0x0] =	wrdreg $0xFFFFFFFF;
	(pc) =	sbr.abs _section_cstart, $3  }
0xc0: {  	[dreg:$0x1] =	wrdreg $0xFFFFFFFF  }
0xc1: {  	_ =	task.clear_ibuf [dreg:s6], $0x2FFFF;
	_ =	strace $0x9FFFFFFF  }
0xc2: {  	(tm) =	ssettm $0x7FFFFFFF  }
0xc3: {  	_ =	shalt  }
tec
execute0_lowered:
.L_overlay_start_1:
0x0: {  	(tag) =	ssettag $0x1  }
0x1: {  	s7 =	rddreg [dreg:$0x0]  }
0x2: {  	s0 =	srdreg.scid;
	s2 =	rddreg [dreg:$0x1]  }
0x3: {  	s14 =	simm.s32 $0x400;
	s15 =	simm.s32 $0x2800;
	s16 =	simm.s32 $0x40  }
0x4: {  	s17 =	simm.s32 $0x5000;
	s18 =	simm.s32 $0x7000;
	s19 =	simm.s32 $0x1  }
0x5: {  	s20 =	simm.s32 $0x2;
	s21 =	simm.s32 $0x27C0;
	s6 =	sand.u32 $0x1, s0  }
0x6: {  	s22 =	simm.s32 $0x4F80;
	s0 =	stileid.u32;
	s8 =	smul.u32 $0x13C000, s6  }
0x7: {  	s23 =	simm.s32 $0x4FC0;
	s24 =	simm.s32 $0x0;
	s9 =	smul.u32 $0x13C00, s0  }
0x8: {  	s1 =	sshll.u32 s6, $0x4;
	s5 =	sshll.u32 s0, $0x7;
	s10 =	smul.u32 $0x4F000, s0  }
0x9: {  	s6 =	ssub.s32 $0x2, s6;
	s31 =	sshll.u32 s0, $0x6;
	s1 =	sor.u32 s0, s1  }
0xa: {  	s5 =	sand.u32 $0x380, s5;
	s29 =	sshrl.u32 s6, $0x1;
	s3 =	sshrl.u32 s1, $0x3  }
0xb: {  	s1 =	rddreg [dreg:$0x2];
	s8 =	sadd.s32 s9, s8;
	s30 =	sshrl.u32 s10, $0x2  }
0xc: {  	s12 =	ssub.s32 s6, s29;
	s6 =	sor.u32 $0x1C03, s31;
	s4 =	smul.u32 $0x14000, s3  }
0xd: {  	s3 =	simm.s32 $0x0;
	s8 =	sshrl.u32 s8, $0x3;
	s13 =	sadd.s32 s30, s2  }
0xe: {  	s10 =	smax.u32 s12, $0x1;
	s12 =	simm.s32 $0x3;
	[smem:$0x7FF] =	sst s3  }
0xf: {  	s11 =	sadd.s32 s8, s7;
	_ =	strace $0x80000047;
	s5 =	sor.u32 s5, s4  }
0x10: {  	s4 =	sadd.s32 $0x15600, s7;
	s9 =	sadd.s32 $0x3F000, s11;
	s5 =	sshrl.u32 s5, $0x3  }
0x11: {  	s11 =	sshrl.u32 s13, $0x3;
	s13 =	simm.s32 $0x80;
	s28 =	sadd.s32 s5, s7  }
0x12: {  	s5 =	sadd.s32 $0x3C800, s7;
	s7 =	sadd.s32 $0xB600, s28;
	s8 =	sadd.s32 $0x1600, s28  }
.LBB2_1:
0x13: {  	[spmem:s11], [sflag:s6] =	dma.local [hbm:s5], $0x2780  }
0x14: {  	_ =	swait.ge [sflag:s12], $0x2780  }
0x15: {  	[sflag:s12] =	ssyncset.done $0x0  }
0x16: {  	[sflag:s12] =	ssyncadd.s32 $0xFFFFD880  }
0x17: {  	[tilespmem:s3], [sflag:$0x3] =	stream.strided.gather [hbm4b:s7+s13], $0x2800, s14, s13, $0x38;
	[tilespmem:$0x1CC00] =	vst v63  }
0x18: {  	_ =	swait.ge [sflag:s12], $0x2800  }
0x19: {  	[sflag:s12] =	ssyncset.done $0x0  }
0x1a: {  	[sflag:s12] =	ssyncadd.s32 $0xFFFFD800  }
0x1b: {  	[tilespmem:s15], [sflag:$0x3] =	stream.strided.gather [hbm4b:s8+s13], $0x2800, s14, s13, $0x38;
	[tilespmem:$0x1CC00] =	vst v63  }
0x1c: {  	_ =	swait.ge [sflag:s12], $0x2800  }
0x1d: {  	[sflag:s12] =	ssyncset.done $0x0  }
0x1e: {  	[sflag:s12] =	ssyncadd.s32 $0xFFFFD800  }
0x1f: {  	[bflag:$0x0] =	sbarrier.arrive $0xFFFF  }
0x20: {  	[tilespmem:s17], [sflag:$0x1] =	stream.indirect.gather [hbm4b:s4+s16], $0x80, s3, s16, $0xb8;
	[tilespmem:$0x1CC00] =	vst v63  }
0x21: {  	s25 =	simm.s32 $0x40  }
0x22: {  	[tilespmem:s18], [sflag:$0x2] =	stream.indirect.gather [hbm4b:s4+s16], $0x80, s25, s16, $0xb8;
	[tilespmem:$0x1CC00] =	vst v63  }
0x23: {  	_ =	swait.ge [sflag:s19], $0x2000  }
0x24: {  	[sflag:s19] =	ssyncset.done $0x0  }
0x25: {  	s29 =	simm.s32 $0x2800;
	[sflag:s19] =	ssyncadd.s32 $0xFFFFE000  }
0x26: {  	[spmem:s2] =	stream.indirect.scatter.add.f32 [tilespmem:s17], [sflag:$0x3], $0x80, s29, s16, $0xb8;
	[tilespmem:$0x1CC00] =	vst v63  }
0x27: {  	_ =	swait.ge [sflag:s12], $0x2000  }
0x28: {  	[sflag:s12] =	ssyncset.done $0x0  }
0x29: {  	s30 =	simm.s32 $0x80;
	[sflag:s12] =	ssyncadd.s32 $0xFFFFE000  }
0x2a: {  	[tilespmem:s17], [sflag:$0x1] =	stream.indirect.gather [hbm4b:s4+s16], $0x80, s30, s16, $0xb8;
	[tilespmem:$0x1CC00] =	vst v63  }
0x2b: {  	_ =	swait.ge [sflag:s20], $0x2000  }
0x2c: {  	[sflag:s20] =	ssyncset.done $0x0  }
0x2d: {  	s31 =	simm.s32 $0x2840;
	[sflag:s20] =	ssyncadd.s32 $0xFFFFE000  }
0x2e: {  	[spmem:s2] =	stream.indirect.scatter.add.f32 [tilespmem:s18], [sflag:$0x3], $0x80, s31, s16, $0xb8;
	[tilespmem:$0x1CC00] =	vst v63  }
0x2f: {  	_ =	swait.ge [sflag:s12], $0x2000  }
0x30: {  	s26 =	simm.s32 $0x400;
	s25 =	simm.s32 $0x80;
	[sflag:s12] =	ssyncset.done $0x0  }
.LBB2_2:
0x31: {  	s28 =	sadd.s32 $0x40, s25  }
0x32: {  	[sflag:s12] =	ssyncadd.s32 $0xFFFFE000;
	s29 =	smov.u32 s26;
	s30 =	sadd.s32 $0x200, s26  }
0x33: {  	[tilespmem:s18], [sflag:$0x2] =	stream.indirect.gather [hbm4b:s4+s16], $0x80, s28, s16, $0xb8;
	[tilespmem:$0x1CC00] =	vst v63  }
0x34: {  	p0 =	sne.s32 s26, $0x9C00;
	_ =	swait.ge [sflag:s19], $0x2000  }
0x35: {  	[sflag:s19] =	ssyncset.done $0x0  }
0x36: {  	s26 =	sadd.s32 $0x2800, s25;
	[sflag:s19] =	ssyncadd.s32 $0xFFFFE000  }
0x37: {  	[spmem:s2] =	stream.indirect.scatter.add.f32 [tilespmem:s17], [sflag:$0x3], $0x80, s26, s16, $0xb8;
	[tilespmem:$0x1CC00] =	vst v63  }
0x38: {  	_ =	swait.ge [sflag:s12], $0x2000  }
0x39: {  	[sflag:s12] =	ssyncset.done $0x0  }
0x3a: {  	s26 =	sadd.s32 $0x80, s25;
	[sflag:s12] =	ssyncadd.s32 $0xFFFFE000  }
0x3b: {  	[tilespmem:s17], [sflag:$0x1] =	stream.indirect.gather [hbm4b:s4+s16], $0x80, s26, s16, $0xb8;
	[tilespmem:$0x1CC00] =	vst v63  }
0x3c: {  	_ =	swait.ge [sflag:s20], $0x2000  }
.Ltmp0:
0x3d: {  	[sflag:s20] =	ssyncset.done $0x0;
	(pc) =	sbr.rel @p0 .LBB2_2-.Ltmp0, $4  }
0x3e: {  	s25 =	sadd.s32 $0x2840, s25;
	[sflag:s20] =	ssyncadd.s32 $0xFFFFE000  }
0x3f: {  	[spmem:s2] =	stream.indirect.scatter.add.f32 [tilespmem:s18], [sflag:$0x3], $0x80, s25, s16, $0xb8;
	[tilespmem:$0x1CC00] =	vst v63  }
0x40: {  	_ =	swait.ge [sflag:s12], $0x2000  }
0x41: {  	s26 =	smov.u32 s30;
	s25 =	sshra.s32 s29, $0x2;
	[sflag:s12] =	ssyncset.done $0x0  }
0x42: {  	s26 =	sadd.s32 $0x40, s25;
	[sflag:s12] =	ssyncadd.s32 $0xFFFFE000  }
0x43: {  	[tilespmem:s18], [sflag:$0x2] =	stream.indirect.gather [hbm4b:s4+s16], $0x80, s26, s16, $0xb8;
	[tilespmem:$0x1CC00] =	vst v63  }
0x44: {  	_ =	swait.ge [sflag:s19], $0x2000  }
0x45: {  	[sflag:s19] =	ssyncset.done $0x0  }
0x46: {  	s29 =	sadd.s32 $0x2800, s25;
	[sflag:s19] =	ssyncadd.s32 $0xFFFFE000  }
0x47: {  	[spmem:s2] =	stream.indirect.scatter.add.f32 [tilespmem:s17], [sflag:$0x3], $0x80, s29, s16, $0xb8;
	[tilespmem:$0x1CC00] =	vst v63  }
0x48: {  	_ =	swait.ge [sflag:s12], $0x2000  }
0x49: {  	[sflag:s12] =	ssyncset.done $0x0  }
0x4a: {  	s30 =	sadd.s32 $0x80, s25;
	[sflag:s12] =	ssyncadd.s32 $0xFFFFE000  }
0x4b: {  	[tilespmem:s17], [sflag:$0x1] =	stream.indirect.gather [hbm4b:s4+s16], $0x80, s30, s16, $0xb8;
	[tilespmem:$0x1CC00] =	vst v63  }
0x4c: {  	_ =	swait.ge [sflag:s20], $0x2000  }
0x4d: {  	[sflag:s20] =	ssyncset.done $0x0  }
0x4e: {  	s31 =	sadd.s32 $0x2840, s25;
	[sflag:s20] =	ssyncadd.s32 $0xFFFFE000  }
0x4f: {  	[spmem:s2] =	stream.indirect.scatter.add.f32 [tilespmem:s18], [sflag:$0x3], $0x80, s31, s16, $0xb8;
	[tilespmem:$0x1CC00] =	vst v63  }
0x50: {  	_ =	swait.ge [sflag:s12], $0x2000  }
0x51: {  	[sflag:s12] =	ssyncset.done $0x0  }
0x52: {  	[sflag:s12] =	ssyncadd.s32 $0xFFFFE000  }
0x53: {  	[tilespmem:s18], [sflag:$0x2] =	stream.indirect.gather [hbm4b:s4+s16], $0x80, s21, s16, $0xb8;
	[tilespmem:$0x1CC00] =	vst v63  }
0x54: {  	_ =	swait.ge [sflag:s19], $0x2000  }
0x55: {  	[sflag:s19] =	ssyncset.done $0x0  }
0x56: {  	[sflag:s19] =	ssyncadd.s32 $0xFFFFE000  }
0x57: {  	[spmem:s2] =	stream.indirect.scatter.add.f32 [tilespmem:s17], [sflag:$0x3], $0x80, s22, s16, $0xb8;
	[tilespmem:$0x1CC00] =	vst v63  }
0x58: {  	_ =	swait.ge [sflag:s12], $0x2000  }
0x59: {  	[sflag:s12] =	ssyncset.done $0x0  }
0x5a: {  	[sflag:s12] =	ssyncadd.s32 $0xFFFFE000  }
0x5b: {  	_ =	swait.ge [sflag:s20], $0x2000  }
0x5c: {  	[sflag:s20] =	ssyncset.done $0x0  }
0x5d: {  	[sflag:s20] =	ssyncadd.s32 $0xFFFFE000  }
0x5e: {  	[spmem:s2] =	stream.indirect.scatter.add.f32 [tilespmem:s18], [sflag:$0x3], $0x80, s23, s16, $0xb8;
	[tilespmem:$0x1CC00] =	vst v63  }
0x5f: {  	_ =	swait.ge [sflag:s12], $0x2000  }
0x60: {  	s24 =	sadd.s32 $0x1, s24;
	[sflag:s12] =	ssyncset.done $0x0  }
0x61: {  	p0 =	sne.s32 s24, s10;
	[sflag:s12] =	ssyncadd.s32 $0xFFFFE000  }
.Ltmp1:
0x62: {  	[bflag:$0x0] =	sbarrier.arrive $0xFFFF;
	(pc) =	sbr.rel @p0 .LBB2_1-.Ltmp1, $4  }
0x63: {  	[hbm:s9], [sflag:s6] =	dma.local [spmem:s11], $0x2780  }
0x64: {  	_ =	swait.ge [sflag:s12], $0x2780  }
0x65: {  	[sflag:s12] =	ssyncset.done $0x0  }
0x66: {  	[sflag:s12] =	ssyncadd.s32 $0xFFFFD880  }
0x67: {  	_ =	sfence.sel $0x180000  }
0x68: {  	[bflag:$0x0] =	sbarrier.arrive $0xFFFF  }
0x69: {  	p0 =	sne.s32 s0, $0x0;
	_ =	strace $0x90000047  }
0x6a: {  	s0 =	sadd.s32 @!p0 $0x100000, s1;
	[bflag:$0x2] =	sbarrier.arrive $0xFFFF  }
0x6b: {  	[sflag:s0] =	ssyncadd.tile.s32 @!p0 $0x1;
	_ =	shalt  }
.Lfunc_end2:
_tile_overlayer_lowered:
.L_overlay_start_2:
0x6c: {  	(tag) =	ssettag $0x2  }
0x6d: {  	s0 =	rddreg [dreg:$0x0];
	s2 =	stileid.u32  }
0x6e: {  	s1 =	rddreg [dreg:$0x1];
	p0 =	sne.s32 s2, $0x0  }
0x6f: {  	s3 =	rddreg [dreg:$0x2];
	[bflag:$0x3] =	sbarrier.arrive $0xFFFF;
	s2 =	simm.s32 @!p0 $0x1C03  }
0x70: {  	[timem:s3], [sflag:s2] =	dma.local @!p0 [hbm:s0], s1  }
0x71: {  	s0 =	simm.s32 @!p0 $0x3  }
0x72: {  	_ =	swait.ge @!p0 [sflag:s0], s1  }
0x73: {  	s1 =	ssub.s32 @!p0 $0x0, s1;
	[sflag:s0] =	ssyncset.done @!p0 $0x0  }
0x74: {  	[sflag:s0] =	ssyncadd.s32 @!p0 s1  }
0x75: {  	[bflag:$0x3] =	sbarrier.arrive $0xFFFF  }
0x76: {  	_ =	shalt  }

</sc_bundles>
